<compile_context>
chip_gen: v7x
topology: tpu7x:2x2x1
jax: 0.10.2.dev20260603
libtpu: 0.0.44.dev20260713+nightly
codegen_flags: <defaults>
</compile_context>

<pallas_src>
import functools

import numpy as np
import jax
import jax.numpy as jnp
from jax import lax
from jax.experimental import pallas as pl
from jax.experimental.pallas import tpu as pltpu
from jax.experimental.pallas import tpu_sc as plsc

_ALPHA = 4
_C, _T, _H, _W = 3, 32, 384, 384
_N_SLOW = _T // _ALPHA
_QROWS = _H // 4
_NW = 32
_N_CHUNKS = _C * _N_SLOW * 4
_PER_W = _N_CHUNKS // _NW


def _sc_slow_body(frames_hbm, out_hbm, buf0, buf1, sem_r0, sem_r1, sem_w0, sem_w1):
    wid = lax.axis_index("s") * 2 + lax.axis_index("c")
    bufs = (buf0, buf1)
    rsems = (sem_r0, sem_r1)
    wsems = (sem_w0, sem_w1)

    def slices(k):
        j = wid + _NW * k
        chunk = j // 4
        q = j - chunk * 4
        c = chunk // _N_SLOW
        s = chunk - c * _N_SLOW
        idx_s = (s * (_T - 1)) // (_N_SLOW - 1)
        src = frames_hbm.at[c, idx_s, pl.ds(q * _QROWS, _QROWS), :]
        dst = out_hbm.at[c, s, pl.ds(q * _QROWS, _QROWS), :]
        return src, dst

    reads, writes, dsts = [None, None], [None, None], [None, None]
    for k in range(_PER_W):
        b = k % 2
        src, dst = slices(k)
        if writes[b] is not None:
            writes[b].wait()
        rc = pltpu.make_async_copy(src, bufs[b], rsems[b])
        rc.start()
        reads[b], dsts[b] = rc, dst
        ob = 1 - b
        if reads[ob] is not None:
            reads[ob].wait()
            wc = pltpu.make_async_copy(bufs[ob], dsts[ob], wsems[ob])
            wc.start()
            writes[ob] = wc
            reads[ob] = None
    for b in range(2):
        if reads[b] is not None:
            reads[b].wait()
            wc = pltpu.make_async_copy(bufs[b], dsts[b], wsems[b])
            wc.start()
            writes[b] = wc
    for b in range(2):
        if writes[b] is not None:
            writes[b].wait()


_sc_slow = functools.partial(
    pl.kernel,
    mesh=plsc.VectorSubcoreMesh(core_axis_name="c", subcore_axis_name="s"),
    out_type=jax.ShapeDtypeStruct((_C, _N_SLOW, _H, _W), jnp.float32),
    scratch_types=[
        pltpu.VMEM((_QROWS, _W), jnp.float32),
        pltpu.VMEM((_QROWS, _W), jnp.float32),
        pltpu.SemaphoreType.DMA,
        pltpu.SemaphoreType.DMA,
        pltpu.SemaphoreType.DMA,
        pltpu.SemaphoreType.DMA,
    ],
)(_sc_slow_body)


def _copy_body(frames_ref, fast_ref):
    fast_ref[...] = frames_ref[...]


def kernel(frames):
    C, T, H, W = frames.shape
    assert (C, T, H, W) == (_C, _T, _H, _W)
    n_slow = T // _ALPHA
    idx = np.linspace(0.0, T - 1, n_slow).astype(np.int32)
    assert all(int(i) == (s * (T - 1)) // (n_slow - 1) for s, i in enumerate(idx))

    slow = _sc_slow(frames)

    fast = pl.pallas_call(
        _copy_body,
        grid=(n_slow,),
        in_specs=[pl.BlockSpec((C, _ALPHA, H, W), lambda s: (0, s, 0, 0))],
        out_specs=pl.BlockSpec((C, _ALPHA, H, W), lambda s: (0, s, 0, 0)),
        out_shape=jax.ShapeDtypeStruct((C, T, H, W), frames.dtype),
    )(frames)
    return (slow, fast)

# --- scband reference (transcript-rebuilt; emitter-appended) ---
"""Pipeline reference for scband-pack-pathway-66322884985216 (READ-ONLY COPY).

The authoritative reference and input builder live on the scoring server;
editing this copy changes nothing except your own understanding.
"""

import jax, jax.numpy as jnp
import numpy as np

SLOWFAST_ALPHA = 4


def setup_inputs(seed: int = 0) -> dict:
    key = jax.random.key(seed)
    frames = jax.random.normal(key, (3, 32, 384, 384), dtype=jnp.float32)
    return {"frames": frames}


def reference(frames):
    # PackPathway: fast pathway is the full clip; slow pathway subsamples
    # the temporal dimension (axis 1) by a factor of slowfast_alpha using
    # torch.linspace(0, T-1, T // alpha).long() indices (floor truncation).
    T = frames.shape[1]
    n_slow = T // SLOWFAST_ALPHA
    idx = jnp.linspace(0.0, T - 1, n_slow).astype(jnp.int32)
    slow_pathway = jnp.take(frames, idx, axis=1)
    fast_pathway = frames
    return (slow_pathway, fast_pathway)

if __name__ == "__main__":
    import jax
    _d = setup_inputs()
    print(jax.jit(kernel)(*tuple(_d.values())))

</pallas_src>

<mosaic_0001>
#map = affine_map<(d0, d1) -> (0, 0, 0, 0)>
module attributes {stable_mosaic.version = 14 : i64} {
  func.func @_sc_slow_body(%arg0: i32, %arg1: i32, %arg2: memref<3x32x384x384xf32, #tpu.memory_space<hbm>>, %arg3: memref<3x8x384x384xf32, #tpu.memory_space<hbm>>, %arg4: memref<96x384xf32, #tpu.memory_space<vmem>>, %arg5: memref<96x384xf32, #tpu.memory_space<vmem>>, %arg6: memref<!tpu.dma_semaphore, #tpu.memory_space<semaphore_mem>>, %arg7: memref<!tpu.dma_semaphore, #tpu.memory_space<semaphore_mem>>, %arg8: memref<!tpu.dma_semaphore, #tpu.memory_space<semaphore_mem>>, %arg9: memref<!tpu.dma_semaphore, #tpu.memory_space<semaphore_mem>>) attributes {dimension_semantics = [#tpu.dimension_semantics<core_parallel>, #tpu.dimension_semantics<subcore_parallel>], iteration_bounds = array<i64: 2, 16>, scalar_prefetch = 0 : i64, scratch_operands = 6 : i64, tpu.core_type = #tpu.core_type<sc_vector_subcore>, window_params = [{transform_indices = #map}, {transform_indices = #map}]} {
    %mul3A = arith.constant 2 : i32
    %mul3A_0 = arith.muli %arg1, %mul3A : i32
    %add3A = arith.addi %mul3A_0, %arg0 : i32
    %add3A_1 = arith.constant 0 : i32
    %add3A_2 = arith.addi %add3A, %add3A_1 : i32
    %jit3A = arith.constant 4 : i32
    %div3A = arith.divsi %add3A_2, %jit3A : i32
    %sign3A = arith.constant 0 : i32
    %sign3A_3 = arith.cmpi sgt, %add3A_2, %sign3A : i32
    %sign3A_4 = arith.extui %sign3A_3 : i1 to i32
    %sign3A_5 = arith.constant 0 : i32
    %sign3A_6 = arith.cmpi slt, %add3A_2, %sign3A_5 : i32
    %sign3A_7 = arith.extui %sign3A_6 : i1 to i32
    %sign3A_8 = arith.subi %sign3A_4, %sign3A_7 : i32
    %sign3A_9 = arith.constant 0 : i32
    %sign3A_10 = arith.cmpi sgt, %jit3A, %sign3A_9 : i32
    %sign3A_11 = arith.extui %sign3A_10 : i1 to i32
    %sign3A_12 = arith.constant 0 : i32
    %sign3A_13 = arith.cmpi slt, %jit3A, %sign3A_12 : i32
    %sign3A_14 = arith.extui %sign3A_13 : i1 to i32
    %sign3A_15 = arith.subi %sign3A_11, %sign3A_14 : i32
    %ne3A = arith.cmpi ne, %sign3A_8, %sign3A_15 : i32
    %rem3A = arith.remsi %add3A_2, %jit3A : i32
    %ne3A_16 = arith.constant 0 : i32
    %ne3A_17 = arith.cmpi ne, %rem3A, %ne3A_16 : i32
    %and3A = arith.andi %ne3A, %ne3A_17 : i1
    %sub3A = arith.constant 1 : i32
    %sub3A_18 = arith.subi %div3A, %sub3A : i32
    %select_n3A = arith.select %and3A, %sub3A_18, %div3A : i32
    %mul3A_19 = arith.constant 4 : i32
    %mul3A_20 = arith.muli %select_n3A, %mul3A_19 : i32
    %sub3A_21 = arith.subi %add3A_2, %mul3A_20 : i32
    %jit3A_22 = arith.constant 8 : i32
    %div3A_23 = arith.divsi %select_n3A, %jit3A_22 : i32
    %sign3A_24 = arith.constant 0 : i32
    %sign3A_25 = arith.cmpi sgt, %select_n3A, %sign3A_24 : i32
    %sign3A_26 = arith.extui %sign3A_25 : i1 to i32
    %sign3A_27 = arith.constant 0 : i32
    %sign3A_28 = arith.cmpi slt, %select_n3A, %sign3A_27 : i32
    %sign3A_29 = arith.extui %sign3A_28 : i1 to i32
    %sign3A_30 = arith.subi %sign3A_26, %sign3A_29 : i32
    %sign3A_31 = arith.constant 0 : i32
    %sign3A_32 = arith.cmpi sgt, %jit3A_22, %sign3A_31 : i32
    %sign3A_33 = arith.extui %sign3A_32 : i1 to i32
    %sign3A_34 = arith.constant 0 : i32
    %sign3A_35 = arith.cmpi slt, %jit3A_22, %sign3A_34 : i32
    %sign3A_36 = arith.extui %sign3A_35 : i1 to i32
    %sign3A_37 = arith.subi %sign3A_33, %sign3A_36 : i32
    %ne3A_38 = arith.cmpi ne, %sign3A_30, %sign3A_37 : i32
    %rem3A_39 = arith.remsi %select_n3A, %jit3A_22 : i32
    %ne3A_40 = arith.constant 0 : i32
    %ne3A_41 = arith.cmpi ne, %rem3A_39, %ne3A_40 : i32
    %and3A_42 = arith.andi %ne3A_38, %ne3A_41 : i1
    %sub3A_43 = arith.constant 1 : i32
    %sub3A_44 = arith.subi %div3A_23, %sub3A_43 : i32
    %select_n3A_45 = arith.select %and3A_42, %sub3A_44, %div3A_23 : i32
    %mul3A_46 = arith.constant 8 : i32
    %mul3A_47 = arith.muli %select_n3A_45, %mul3A_46 : i32
    %sub3A_48 = arith.subi %select_n3A, %mul3A_47 : i32
    %mul3A_49 = arith.constant 31 : i32
    %mul3A_50 = arith.muli %sub3A_48, %mul3A_49 : i32
    %jit3A_51 = arith.constant 7 : i32
    %div3A_52 = arith.divsi %mul3A_50, %jit3A_51 : i32
    %sign3A_53 = arith.constant 0 : i32
    %sign3A_54 = arith.cmpi sgt, %mul3A_50, %sign3A_53 : i32
    %sign3A_55 = arith.extui %sign3A_54 : i1 to i32
    %sign3A_56 = arith.constant 0 : i32
    %sign3A_57 = arith.cmpi slt, %mul3A_50, %sign3A_56 : i32
    %sign3A_58 = arith.extui %sign3A_57 : i1 to i32
    %sign3A_59 = arith.subi %sign3A_55, %sign3A_58 : i32
    %sign3A_60 = arith.constant 0 : i32
    %sign3A_61 = arith.cmpi sgt, %jit3A_51, %sign3A_60 : i32
    %sign3A_62 = arith.extui %sign3A_61 : i1 to i32
    %sign3A_63 = arith.constant 0 : i32
    %sign3A_64 = arith.cmpi slt, %jit3A_51, %sign3A_63 : i32
    %sign3A_65 = arith.extui %sign3A_64 : i1 to i32
    %sign3A_66 = arith.subi %sign3A_62, %sign3A_65 : i32
    %ne3A_67 = arith.cmpi ne, %sign3A_59, %sign3A_66 : i32
    %rem3A_68 = arith.remsi %mul3A_50, %jit3A_51 : i32
    %ne3A_69 = arith.constant 0 : i32
    %ne3A_70 = arith.cmpi ne, %rem3A_68, %ne3A_69 : i32
    %and3A_71 = arith.andi %ne3A_67, %ne3A_70 : i1
    %sub3A_72 = arith.constant 1 : i32
    %sub3A_73 = arith.subi %div3A_52, %sub3A_72 : i32
    %select_n3A_74 = arith.select %and3A_71, %sub3A_73, %div3A_52 : i32
    %mul3A_75 = arith.constant 96 : i32
    %mul3A_76 = arith.muli %sub3A_21, %mul3A_75 : i32
    %mul3A_77 = arith.constant 96 : i32
    %mul3A_78 = arith.muli %sub3A_21, %mul3A_77 : i32
    %dma_start3A = arith.constant 0 : i32
    %dma_start3A_79 = tpu.memref_slice %arg2[%select_n3A_45, %select_n3A_74, %mul3A_76, %dma_start3A] : memref<3x32x384x384xf32, #tpu.memory_space<hbm>> -> memref<1x1x96x384xf32, #tpu.memory_space<hbm>>
    %dma_start3A_80 = tpu.memref_squeeze %dma_start3A_79 : memref<1x1x96x384xf32, #tpu.memory_space<hbm>> -> memref<96x384xf32, #tpu.memory_space<hbm>>
    %dma_start3A_81 = arith.constant 0 : i32
    %dma_start3A_82 = tpu.memref_slice %arg2[%select_n3A_45, %select_n3A_74, %mul3A_76, %dma_start3A_81] : memref<3x32x384x384xf32, #tpu.memory_space<hbm>> -> memref<1x1x96x384xf32, #tpu.memory_space<hbm>>
    %dma_start3A_83 = tpu.memref_squeeze %dma_start3A_82 : memref<1x1x96x384xf32, #tpu.memory_space<hbm>> -> memref<96x384xf32, #tpu.memory_space<hbm>>
    tpu.enqueue_dma source(%dma_start3A_83 : memref<96x384xf32, #tpu.memory_space<hbm>>) target(%arg4 : memref<96x384xf32, #tpu.memory_space<vmem>>) target_semaphore(%arg6 : memref<!tpu.dma_semaphore, #tpu.memory_space<semaphore_mem>>)
    %add3A_84 = arith.constant 32 : i32
    %add3A_85 = arith.addi %add3A, %add3A_84 : i32
    %jit3A_86 = arith.constant 4 : i32
    %div3A_87 = arith.divsi %add3A_85, %jit3A_86 : i32
    %sign3A_88 = arith.constant 0 : i32
    %sign3A_89 = arith.cmpi sgt, %add3A_85, %sign3A_88 : i32
    %sign3A_90 = arith.extui %sign3A_89 : i1 to i32
    %sign3A_91 = arith.constant 0 : i32
    %sign3A_92 = arith.cmpi slt, %add3A_85, %sign3A_91 : i32
    %sign3A_93 = arith.extui %sign3A_92 : i1 to i32
    %sign3A_94 = arith.subi %sign3A_90, %sign3A_93 : i32
    %sign3A_95 = arith.constant 0 : i32
    %sign3A_96 = arith.cmpi sgt, %jit3A_86, %sign3A_95 : i32
    %sign3A_97 = arith.extui %sign3A_96 : i1 to i32
    %sign3A_98 = arith.constant 0 : i32
    %sign3A_99 = arith.cmpi slt, %jit3A_86, %sign3A_98 : i32
    %sign3A_100 = arith.extui %sign3A_99 : i1 to i32
    %sign3A_101 = arith.subi %sign3A_97, %sign3A_100 : i32
    %ne3A_102 = arith.cmpi ne, %sign3A_94, %sign3A_101 : i32
    %rem3A_103 = arith.remsi %add3A_85, %jit3A_86 : i32
    %ne3A_104 = arith.constant 0 : i32
    %ne3A_105 = arith.cmpi ne, %rem3A_103, %ne3A_104 : i32
    %and3A_106 = arith.andi %ne3A_102, %ne3A_105 : i1
    %sub3A_107 = arith.constant 1 : i32
    %sub3A_108 = arith.subi %div3A_87, %sub3A_107 : i32
    %select_n3A_109 = arith.select %and3A_106, %sub3A_108, %div3A_87 : i32
    %mul3A_110 = arith.constant 4 : i32
    %mul3A_111 = arith.muli %select_n3A_109, %mul3A_110 : i32
    %sub3A_112 = arith.subi %add3A_85, %mul3A_111 : i32
    %jit3A_113 = arith.constant 8 : i32
    %div3A_114 = arith.divsi %select_n3A_109, %jit3A_113 : i32
    %sign3A_115 = arith.constant 0 : i32
    %sign3A_116 = arith.cmpi sgt, %select_n3A_109, %sign3A_115 : i32
    %sign3A_117 = arith.extui %sign3A_116 : i1 to i32
    %sign3A_118 = arith.constant 0 : i32
    %sign3A_119 = arith.cmpi slt, %select_n3A_109, %sign3A_118 : i32
    %sign3A_120 = arith.extui %sign3A_119 : i1 to i32
    %sign3A_121 = arith.subi %sign3A_117, %sign3A_120 : i32
    %sign3A_122 = arith.constant 0 : i32
    %sign3A_123 = arith.cmpi sgt, %jit3A_113, %sign3A_122 : i32
    %sign3A_124 = arith.extui %sign3A_123 : i1 to i32
    %sign3A_125 = arith.constant 0 : i32
    %sign3A_126 = arith.cmpi slt, %jit3A_113, %sign3A_125 : i32
    %sign3A_127 = arith.extui %sign3A_126 : i1 to i32
    %sign3A_128 = arith.subi %sign3A_124, %sign3A_127 : i32
    %ne3A_129 = arith.cmpi ne, %sign3A_121, %sign3A_128 : i32
    %rem3A_130 = arith.remsi %select_n3A_109, %jit3A_113 : i32
    %ne3A_131 = arith.constant 0 : i32
    %ne3A_132 = arith.cmpi ne, %rem3A_130, %ne3A_131 : i32
    %and3A_133 = arith.andi %ne3A_129, %ne3A_132 : i1
    %sub3A_134 = arith.constant 1 : i32
    %sub3A_135 = arith.subi %div3A_114, %sub3A_134 : i32
    %select_n3A_136 = arith.select %and3A_133, %sub3A_135, %div3A_114 : i32
    %mul3A_137 = arith.constant 8 : i32
    %mul3A_138 = arith.muli %select_n3A_136, %mul3A_137 : i32
    %sub3A_139 = arith.subi %select_n3A_109, %mul3A_138 : i32
    %mul3A_140 = arith.constant 31 : i32
    %mul3A_141 = arith.muli %sub3A_139, %mul3A_140 : i32
    %jit3A_142 = arith.constant 7 : i32
    %div3A_143 = arith.divsi %mul3A_141, %jit3A_142 : i32
    %sign3A_144 = arith.constant 0 : i32
    %sign3A_145 = arith.cmpi sgt, %mul3A_141, %sign3A_144 : i32
    %sign3A_146 = arith.extui %sign3A_145 : i1 to i32
    %sign3A_147 = arith.constant 0 : i32
    %sign3A_148 = arith.cmpi slt, %mul3A_141, %sign3A_147 : i32
    %sign3A_149 = arith.extui %sign3A_148 : i1 to i32
    %sign3A_150 = arith.subi %sign3A_146, %sign3A_149 : i32
    %sign3A_151 = arith.constant 0 : i32
    %sign3A_152 = arith.cmpi sgt, %jit3A_142, %sign3A_151 : i32
    %sign3A_153 = arith.extui %sign3A_152 : i1 to i32
    %sign3A_154 = arith.constant 0 : i32
    %sign3A_155 = arith.cmpi slt, %jit3A_142, %sign3A_154 : i32
    %sign3A_156 = arith.extui %sign3A_155 : i1 to i32
    %sign3A_157 = arith.subi %sign3A_153, %sign3A_156 : i32
    %ne3A_158 = arith.cmpi ne, %sign3A_150, %sign3A_157 : i32
    %rem3A_159 = arith.remsi %mul3A_141, %jit3A_142 : i32
    %ne3A_160 = arith.constant 0 : i32
    %ne3A_161 = arith.cmpi ne, %rem3A_159, %ne3A_160 : i32
    %and3A_162 = arith.andi %ne3A_158, %ne3A_161 : i1
    %sub3A_163 = arith.constant 1 : i32
    %sub3A_164 = arith.subi %div3A_143, %sub3A_163 : i32
    %select_n3A_165 = arith.select %and3A_162, %sub3A_164, %div3A_143 : i32
    %mul3A_166 = arith.constant 96 : i32
    %mul3A_167 = arith.muli %sub3A_112, %mul3A_166 : i32
    %mul3A_168 = arith.constant 96 : i32
    %mul3A_169 = arith.muli %sub3A_112, %mul3A_168 : i32
    %dma_start3A_170 = arith.constant 0 : i32
    %dma_start3A_171 = tpu.memref_slice %arg2[%select_n3A_136, %select_n3A_165, %mul3A_167, %dma_start3A_170] : memref<3x32x384x384xf32, #tpu.memory_space<hbm>> -> memref<1x1x96x384xf32, #tpu.memory_space<hbm>>
    %dma_start3A_172 = tpu.memref_squeeze %dma_start3A_171 : memref<1x1x96x384xf32, #tpu.memory_space<hbm>> -> memref<96x384xf32, #tpu.memory_space<hbm>>
    %dma_start3A_173 = arith.constant 0 : i32
    %dma_start3A_174 = tpu.memref_slice %arg2[%select_n3A_136, %select_n3A_165, %mul3A_167, %dma_start3A_173] : memref<3x32x384x384xf32, #tpu.memory_space<hbm>> -> memref<1x1x96x384xf32, #tpu.memory_space<hbm>>
    %dma_start3A_175 = tpu.memref_squeeze %dma_start3A_174 : memref<1x1x96x384xf32, #tpu.memory_space<hbm>> -> memref<96x384xf32, #tpu.memory_space<hbm>>
    tpu.enqueue_dma source(%dma_start3A_175 : memref<96x384xf32, #tpu.memory_space<hbm>>) target(%arg5 : memref<96x384xf32, #tpu.memory_space<vmem>>) target_semaphore(%arg7 : memref<!tpu.dma_semaphore, #tpu.memory_space<semaphore_mem>>)
    %dma_wait3A = arith.constant 0 : i32
    %dma_wait3A_176 = tpu.memref_slice %arg2[%select_n3A_45, %select_n3A_74, %mul3A_76, %dma_wait3A] : memref<3x32x384x384xf32, #tpu.memory_space<hbm>> -> memref<1x1x96x384xf32, #tpu.memory_space<hbm>>
    %dma_wait3A_177 = tpu.memref_squeeze %dma_wait3A_176 : memref<1x1x96x384xf32, #tpu.memory_space<hbm>> -> memref<96x384xf32, #tpu.memory_space<hbm>>
    %dma_wait3A_178 = arith.constant 0 : i32
    %dma_wait3A_179 = tpu.memref_slice %arg2[%select_n3A_45, %select_n3A_74, %mul3A_76, %dma_wait3A_178] : memref<3x32x384x384xf32, #tpu.memory_space<hbm>> -> memref<1x1x96x384xf32, #tpu.memory_space<hbm>>
    %dma_wait3A_180 = tpu.memref_squeeze %dma_wait3A_179 : memref<1x1x96x384xf32, #tpu.memory_space<hbm>> -> memref<96x384xf32, #tpu.memory_space<hbm>>
    tpu.wait_dma2 semaphore(%arg6 : memref<!tpu.dma_semaphore, #tpu.memory_space<semaphore_mem>>) src(%dma_wait3A_180 : memref<96x384xf32, #tpu.memory_space<hbm>>) dst(%arg4 : memref<96x384xf32, #tpu.memory_space<vmem>>)
    %dma_start3A_181 = arith.constant 0 : i32
    %dma_start3A_182 = tpu.memref_slice %arg3[%select_n3A_45, %sub3A_48, %mul3A_78, %dma_start3A_181] : memref<3x8x384x384xf32, #tpu.memory_space<hbm>> -> memref<1x1x96x384xf32, #tpu.memory_space<hbm>>
    %dma_start3A_183 = tpu.memref_squeeze %dma_start3A_182 : memref<1x1x96x384xf32, #tpu.memory_space<hbm>> -> memref<96x384xf32, #tpu.memory_space<hbm>>
    %dma_start3A_184 = arith.constant 0 : i32
    %dma_start3A_185 = tpu.memref_slice %arg3[%select_n3A_45, %sub3A_48, %mul3A_78, %dma_start3A_184] : memref<3x8x384x384xf32, #tpu.memory_space<hbm>> -> memref<1x1x96x384xf32, #tpu.memory_space<hbm>>
    %dma_start3A_186 = tpu.memref_squeeze %dma_start3A_185 : memref<1x1x96x384xf32, #tpu.memory_space<hbm>> -> memref<96x384xf32, #tpu.memory_space<hbm>>
    tpu.enqueue_dma source(%arg4 : memref<96x384xf32, #tpu.memory_space<vmem>>) target(%dma_start3A_186 : memref<96x384xf32, #tpu.memory_space<hbm>>) target_semaphore(%arg8 : memref<!tpu.dma_semaphore, #tpu.memory_space<semaphore_mem>>)
    %add3A_187 = arith.constant 64 : i32
    %add3A_188 = arith.addi %add3A, %add3A_187 : i32
    %jit3A_189 = arith.constant 4 : i32
    %div3A_190 = arith.divsi %add3A_188, %jit3A_189 : i32
    %sign3A_191 = arith.constant 0 : i32
    %sign3A_192 = arith.cmpi sgt, %add3A_188, %sign3A_191 : i32
    %sign3A_193 = arith.extui %sign3A_192 : i1 to i32
    %sign3A_194 = arith.constant 0 : i32
    %sign3A_195 = arith.cmpi slt, %add3A_188, %sign3A_194 : i32
    %sign3A_196 = arith.extui %sign3A_195 : i1 to i32
    %sign3A_197 = arith.subi %sign3A_193, %sign3A_196 : i32
    %sign3A_198 = arith.constant 0 : i32
    %sign3A_199 = arith.cmpi sgt, %jit3A_189, %sign3A_198 : i32
    %sign3A_200 = arith.extui %sign3A_199 : i1 to i32
    %sign3A_201 = arith.constant 0 : i32
    %sign3A_202 = arith.cmpi slt, %jit3A_189, %sign3A_201 : i32
    %sign3A_203 = arith.extui %sign3A_202 : i1 to i32
    %sign3A_204 = arith.subi %sign3A_200, %sign3A_203 : i32
    %ne3A_205 = arith.cmpi ne, %sign3A_197, %sign3A_204 : i32
    %rem3A_206 = arith.remsi %add3A_188, %jit3A_189 : i32
    %ne3A_207 = arith.constant 0 : i32
    %ne3A_208 = arith.cmpi ne, %rem3A_206, %ne3A_207 : i32
    %and3A_209 = arith.andi %ne3A_205, %ne3A_208 : i1
    %sub3A_210 = arith.constant 1 : i32
    %sub3A_211 = arith.subi %div3A_190, %sub3A_210 : i32
    %select_n3A_212 = arith.select %and3A_209, %sub3A_211, %div3A_190 : i32
    %mul3A_213 = arith.constant 4 : i32
    %mul3A_214 = arith.muli %select_n3A_212, %mul3A_213 : i32
    %sub3A_215 = arith.subi %add3A_188, %mul3A_214 : i32
    %jit3A_216 = arith.constant 8 : i32
    %div3A_217 = arith.divsi %select_n3A_212, %jit3A_216 : i32
    %sign3A_218 = arith.constant 0 : i32
    %sign3A_219 = arith.cmpi sgt, %select_n3A_212, %sign3A_218 : i32
    %sign3A_220 = arith.extui %sign3A_219 : i1 to i32
    %sign3A_221 = arith.constant 0 : i32
    %sign3A_222 = arith.cmpi slt, %select_n3A_212, %sign3A_221 : i32
    %sign3A_223 = arith.extui %sign3A_222 : i1 to i32
    %sign3A_224 = arith.subi %sign3A_220, %sign3A_223 : i32
    %sign3A_225 = arith.constant 0 : i32
    %sign3A_226 = arith.cmpi sgt, %jit3A_216, %sign3A_225 : i32
    %sign3A_227 = arith.extui %sign3A_226 : i1 to i32
    %sign3A_228 = arith.constant 0 : i32
    %sign3A_229 = arith.cmpi slt, %jit3A_216, %sign3A_228 : i32
    %sign3A_230 = arith.extui %sign3A_229 : i1 to i32
    %sign3A_231 = arith.subi %sign3A_227, %sign3A_230 : i32
    %ne3A_232 = arith.cmpi ne, %sign3A_224, %sign3A_231 : i32
    %rem3A_233 = arith.remsi %select_n3A_212, %jit3A_216 : i32
    %ne3A_234 = arith.constant 0 : i32
    %ne3A_235 = arith.cmpi ne, %rem3A_233, %ne3A_234 : i32
    %and3A_236 = arith.andi %ne3A_232, %ne3A_235 : i1
    %sub3A_237 = arith.constant 1 : i32
    %sub3A_238 = arith.subi %div3A_217, %sub3A_237 : i32
    %select_n3A_239 = arith.select %and3A_236, %sub3A_238, %div3A_217 : i32
    %mul3A_240 = arith.constant 8 : i32
    %mul3A_241 = arith.muli %select_n3A_239, %mul3A_240 : i32
    %sub3A_242 = arith.subi %select_n3A_212, %mul3A_241 : i32
    %mul3A_243 = arith.constant 31 : i32
    %mul3A_244 = arith.muli %sub3A_242, %mul3A_243 : i32
    %jit3A_245 = arith.constant 7 : i32
    %div3A_246 = arith.divsi %mul3A_244, %jit3A_245 : i32
    %sign3A_247 = arith.constant 0 : i32
    %sign3A_248 = arith.cmpi sgt, %mul3A_244, %sign3A_247 : i32
    %sign3A_249 = arith.extui %sign3A_248 : i1 to i32
    %sign3A_250 = arith.constant 0 : i32
    %sign3A_251 = arith.cmpi slt, %mul3A_244, %sign3A_250 : i32
    %sign3A_252 = arith.extui %sign3A_251 : i1 to i32
    %sign3A_253 = arith.subi %sign3A_249, %sign3A_252 : i32
    %sign3A_254 = arith.constant 0 : i32
    %sign3A_255 = arith.cmpi sgt, %jit3A_245, %sign3A_254 : i32
    %sign3A_256 = arith.extui %sign3A_255 : i1 to i32
    %sign3A_257 = arith.constant 0 : i32
    %sign3A_258 = arith.cmpi slt, %jit3A_245, %sign3A_257 : i32
    %sign3A_259 = arith.extui %sign3A_258 : i1 to i32
    %sign3A_260 = arith.subi %sign3A_256, %sign3A_259 : i32
    %ne3A_261 = arith.cmpi ne, %sign3A_253, %sign3A_260 : i32
    %rem3A_262 = arith.remsi %mul3A_244, %jit3A_245 : i32
    %ne3A_263 = arith.constant 0 : i32
    %ne3A_264 = arith.cmpi ne, %rem3A_262, %ne3A_263 : i32
    %and3A_265 = arith.andi %ne3A_261, %ne3A_264 : i1
    %sub3A_266 = arith.constant 1 : i32
    %sub3A_267 = arith.subi %div3A_246, %sub3A_266 : i32
    %select_n3A_268 = arith.select %and3A_265, %sub3A_267, %div3A_246 : i32
    %mul3A_269 = arith.constant 96 : i32
    %mul3A_270 = arith.muli %sub3A_215, %mul3A_269 : i32
    %mul3A_271 = arith.constant 96 : i32
    %mul3A_272 = arith.muli %sub3A_215, %mul3A_271 : i32
    %dma_wait3A_273 = arith.constant 0 : i32
    %dma_wait3A_274 = tpu.memref_slice %arg3[%select_n3A_45, %sub3A_48, %mul3A_78, %dma_wait3A_273] : memref<3x8x384x384xf32, #tpu.memory_space<hbm>> -> memref<1x1x96x384xf32, #tpu.memory_space<hbm>>
    %dma_wait3A_275 = tpu.memref_squeeze %dma_wait3A_274 : memref<1x1x96x384xf32, #tpu.memory_space<hbm>> -> memref<96x384xf32, #tpu.memory_space<hbm>>
    %dma_wait3A_276 = arith.constant 0 : i32
    %dma_wait3A_277 = tpu.memref_slice %arg3[%select_n3A_45, %sub3A_48, %mul3A_78, %dma_wait3A_276] : memref<3x8x384x384xf32, #tpu.memory_space<hbm>> -> memref<1x1x96x384xf32, #tpu.memory_space<hbm>>
    %dma_wait3A_278 = tpu.memref_squeeze %dma_wait3A_277 : memref<1x1x96x384xf32, #tpu.memory_space<hbm>> -> memref<96x384xf32, #tpu.memory_space<hbm>>
    tpu.wait_dma2 semaphore(%arg8 : memref<!tpu.dma_semaphore, #tpu.memory_space<semaphore_mem>>) src(%arg4 : memref<96x384xf32, #tpu.memory_space<vmem>>) dst(%dma_wait3A_278 : memref<96x384xf32, #tpu.memory_space<hbm>>)
    %dma_start3A_279 = arith.constant 0 : i32
    %dma_start3A_280 = tpu.memref_slice %arg2[%select_n3A_239, %select_n3A_268, %mul3A_270, %dma_start3A_279] : memref<3x32x384x384xf32, #tpu.memory_space<hbm>> -> memref<1x1x96x384xf32, #tpu.memory_space<hbm>>
    %dma_start3A_281 = tpu.memref_squeeze %dma_start3A_280 : memref<1x1x96x384xf32, #tpu.memory_space<hbm>> -> memref<96x384xf32, #tpu.memory_space<hbm>>
    %dma_start3A_282 = arith.constant 0 : i32
    %dma_start3A_283 = tpu.memref_slice %arg2[%select_n3A_239, %select_n3A_268, %mul3A_270, %dma_start3A_282] : memref<3x32x384x384xf32, #tpu.memory_space<hbm>> -> memref<1x1x96x384xf32, #tpu.memory_space<hbm>>
    %dma_start3A_284 = tpu.memref_squeeze %dma_start3A_283 : memref<1x1x96x384xf32, #tpu.memory_space<hbm>> -> memref<96x384xf32, #tpu.memory_space<hbm>>
    tpu.enqueue_dma source(%dma_start3A_284 : memref<96x384xf32, #tpu.memory_space<hbm>>) target(%arg4 : memref<96x384xf32, #tpu.memory_space<vmem>>) target_semaphore(%arg6 : memref<!tpu.dma_semaphore, #tpu.memory_space<semaphore_mem>>)
    %dma_wait3A_285 = arith.constant 0 : i32
    %dma_wait3A_286 = tpu.memref_slice %arg2[%select_n3A_136, %select_n3A_165, %mul3A_167, %dma_wait3A_285] : memref<3x32x384x384xf32, #tpu.memory_space<hbm>> -> memref<1x1x96x384xf32, #tpu.memory_space<hbm>>
    %dma_wait3A_287 = tpu.memref_squeeze %dma_wait3A_286 : memref<1x1x96x384xf32, #tpu.memory_space<hbm>> -> memref<96x384xf32, #tpu.memory_space<hbm>>
    %dma_wait3A_288 = arith.constant 0 : i32
    %dma_wait3A_289 = tpu.memref_slice %arg2[%select_n3A_136, %select_n3A_165, %mul3A_167, %dma_wait3A_288] : memref<3x32x384x384xf32, #tpu.memory_space<hbm>> -> memref<1x1x96x384xf32, #tpu.memory_space<hbm>>
    %dma_wait3A_290 = tpu.memref_squeeze %dma_wait3A_289 : memref<1x1x96x384xf32, #tpu.memory_space<hbm>> -> memref<96x384xf32, #tpu.memory_space<hbm>>
    tpu.wait_dma2 semaphore(%arg7 : memref<!tpu.dma_semaphore, #tpu.memory_space<semaphore_mem>>) src(%dma_wait3A_290 : memref<96x384xf32, #tpu.memory_space<hbm>>) dst(%arg5 : memref<96x384xf32, #tpu.memory_space<vmem>>)
    %dma_start3A_291 = arith.constant 0 : i32
    %dma_start3A_292 = tpu.memref_slice %arg3[%select_n3A_136, %sub3A_139, %mul3A_169, %dma_start3A_291] : memref<3x8x384x384xf32, #tpu.memory_space<hbm>> -> memref<1x1x96x384xf32, #tpu.memory_space<hbm>>
    %dma_start3A_293 = tpu.memref_squeeze %dma_start3A_292 : memref<1x1x96x384xf32, #tpu.memory_space<hbm>> -> memref<96x384xf32, #tpu.memory_space<hbm>>
    %dma_start3A_294 = arith.constant 0 : i32
    %dma_start3A_295 = tpu.memref_slice %arg3[%select_n3A_136, %sub3A_139, %mul3A_169, %dma_start3A_294] : memref<3x8x384x384xf32, #tpu.memory_space<hbm>> -> memref<1x1x96x384xf32, #tpu.memory_space<hbm>>
    %dma_start3A_296 = tpu.memref_squeeze %dma_start3A_295 : memref<1x1x96x384xf32, #tpu.memory_space<hbm>> -> memref<96x384xf32, #tpu.memory_space<hbm>>
    tpu.enqueue_dma source(%arg5 : memref<96x384xf32, #tpu.memory_space<vmem>>) target(%dma_start3A_296 : memref<96x384xf32, #tpu.memory_space<hbm>>) target_semaphore(%arg9 : memref<!tpu.dma_semaphore, #tpu.memory_space<semaphore_mem>>)
    %dma_wait3A_297 = arith.constant 0 : i32
    %dma_wait3A_298 = tpu.memref_slice %arg2[%select_n3A_239, %select_n3A_268, %mul3A_270, %dma_wait3A_297] : memref<3x32x384x384xf32, #tpu.memory_space<hbm>> -> memref<1x1x96x384xf32, #tpu.memory_space<hbm>>
    %dma_wait3A_299 = tpu.memref_squeeze %dma_wait3A_298 : memref<1x1x96x384xf32, #tpu.memory_space<hbm>> -> memref<96x384xf32, #tpu.memory_space<hbm>>
    %dma_wait3A_300 = arith.constant 0 : i32
    %dma_wait3A_301 = tpu.memref_slice %arg2[%select_n3A_239, %select_n3A_268, %mul3A_270, %dma_wait3A_300] : memref<3x32x384x384xf32, #tpu.memory_space<hbm>> -> memref<1x1x96x384xf32, #tpu.memory_space<hbm>>
    %dma_wait3A_302 = tpu.memref_squeeze %dma_wait3A_301 : memref<1x1x96x384xf32, #tpu.memory_space<hbm>> -> memref<96x384xf32, #tpu.memory_space<hbm>>
    tpu.wait_dma2 semaphore(%arg6 : memref<!tpu.dma_semaphore, #tpu.memory_space<semaphore_mem>>) src(%dma_wait3A_302 : memref<96x384xf32, #tpu.memory_space<hbm>>) dst(%arg4 : memref<96x384xf32, #tpu.memory_space<vmem>>)
    %dma_start3A_303 = arith.constant 0 : i32
    %dma_start3A_304 = tpu.memref_slice %arg3[%select_n3A_239, %sub3A_242, %mul3A_272, %dma_start3A_303] : memref<3x8x384x384xf32, #tpu.memory_space<hbm>> -> memref<1x1x96x384xf32, #tpu.memory_space<hbm>>
    %dma_start3A_305 = tpu.memref_squeeze %dma_start3A_304 : memref<1x1x96x384xf32, #tpu.memory_space<hbm>> -> memref<96x384xf32, #tpu.memory_space<hbm>>
    %dma_start3A_306 = arith.constant 0 : i32
    %dma_start3A_307 = tpu.memref_slice %arg3[%select_n3A_239, %sub3A_242, %mul3A_272, %dma_start3A_306] : memref<3x8x384x384xf32, #tpu.memory_space<hbm>> -> memref<1x1x96x384xf32, #tpu.memory_space<hbm>>
    %dma_start3A_308 = tpu.memref_squeeze %dma_start3A_307 : memref<1x1x96x384xf32, #tpu.memory_space<hbm>> -> memref<96x384xf32, #tpu.memory_space<hbm>>
    tpu.enqueue_dma source(%arg4 : memref<96x384xf32, #tpu.memory_space<vmem>>) target(%dma_start3A_308 : memref<96x384xf32, #tpu.memory_space<hbm>>) target_semaphore(%arg8 : memref<!tpu.dma_semaphore, #tpu.memory_space<semaphore_mem>>)
    %dma_wait3A_309 = arith.constant 0 : i32
    %dma_wait3A_310 = tpu.memref_slice %arg3[%select_n3A_239, %sub3A_242, %mul3A_272, %dma_wait3A_309] : memref<3x8x384x384xf32, #tpu.memory_space<hbm>> -> memref<1x1x96x384xf32, #tpu.memory_space<hbm>>
    %dma_wait3A_311 = tpu.memref_squeeze %dma_wait3A_310 : memref<1x1x96x384xf32, #tpu.memory_space<hbm>> -> memref<96x384xf32, #tpu.memory_space<hbm>>
    %dma_wait3A_312 = arith.constant 0 : i32
    %dma_wait3A_313 = tpu.memref_slice %arg3[%select_n3A_239, %sub3A_242, %mul3A_272, %dma_wait3A_312] : memref<3x8x384x384xf32, #tpu.memory_space<hbm>> -> memref<1x1x96x384xf32, #tpu.memory_space<hbm>>
    %dma_wait3A_314 = tpu.memref_squeeze %dma_wait3A_313 : memref<1x1x96x384xf32, #tpu.memory_space<hbm>> -> memref<96x384xf32, #tpu.memory_space<hbm>>
    tpu.wait_dma2 semaphore(%arg8 : memref<!tpu.dma_semaphore, #tpu.memory_space<semaphore_mem>>) src(%arg4 : memref<96x384xf32, #tpu.memory_space<vmem>>) dst(%dma_wait3A_314 : memref<96x384xf32, #tpu.memory_space<hbm>>)
    %dma_wait3A_315 = arith.constant 0 : i32
    %dma_wait3A_316 = tpu.memref_slice %arg3[%select_n3A_136, %sub3A_139, %mul3A_169, %dma_wait3A_315] : memref<3x8x384x384xf32, #tpu.memory_space<hbm>> -> memref<1x1x96x384xf32, #tpu.memory_space<hbm>>
    %dma_wait3A_317 = tpu.memref_squeeze %dma_wait3A_316 : memref<1x1x96x384xf32, #tpu.memory_space<hbm>> -> memref<96x384xf32, #tpu.memory_space<hbm>>
    %dma_wait3A_318 = arith.constant 0 : i32
    %dma_wait3A_319 = tpu.memref_slice %arg3[%select_n3A_136, %sub3A_139, %mul3A_169, %dma_wait3A_318] : memref<3x8x384x384xf32, #tpu.memory_space<hbm>> -> memref<1x1x96x384xf32, #tpu.memory_space<hbm>>
    %dma_wait3A_320 = tpu.memref_squeeze %dma_wait3A_319 : memref<1x1x96x384xf32, #tpu.memory_space<hbm>> -> memref<96x384xf32, #tpu.memory_space<hbm>>
    tpu.wait_dma2 semaphore(%arg9 : memref<!tpu.dma_semaphore, #tpu.memory_space<semaphore_mem>>) src(%arg5 : memref<96x384xf32, #tpu.memory_space<vmem>>) dst(%dma_wait3A_320 : memref<96x384xf32, #tpu.memory_space<hbm>>)
    return
  }
}

module attributes {stable_mosaic.version = 14 : i64} {
  func.func @_copy_body(%arg0: i32, %arg1: memref<3x4x384x384xf32, #tpu.memory_space<vmem>>, %arg2: memref<3x4x384x384xf32, #tpu.memory_space<vmem>>) attributes {dimension_semantics = [#tpu.dimension_semantics<arbitrary>], iteration_bounds = array<i64: 8>, scalar_prefetch = 0 : i64, scratch_operands = 0 : i64, tpu.core_type = #tpu.core_type<tc>, window_params = [{transform_indices = @transform_0, window_bounds = array<i64: 3, 4, 384, 384>}, {transform_indices = @transform_1, window_bounds = array<i64: 3, 4, 384, 384>}]} {
    %get3A = arith.constant 0 : index
    %get3A_0 = arith.constant 0 : index
    %get3A_1 = arith.constant 0 : index
    %get3A_2 = arith.constant 0 : index
    %get3A_3 = vector.load %arg1[%get3A, %get3A_0, %get3A_1, %get3A_2] : memref<3x4x384x384xf32, #tpu.memory_space<vmem>>, vector<3x4x384x384xf32>
    %swap3A = arith.constant 0 : index
    %swap3A_4 = arith.constant 0 : index
    %swap3A_5 = arith.constant 0 : index
    %swap3A_6 = arith.constant 0 : index
    %swap3A_7 = vector.load %arg2[%swap3A, %swap3A_4, %swap3A_5, %swap3A_6] : memref<3x4x384x384xf32, #tpu.memory_space<vmem>>, vector<3x4x384x384xf32>
    tpu.vector_store %arg2[%swap3A, %swap3A_4, %swap3A_5, %swap3A_6], %get3A_3 {strides = array<i32>} : memref<3x4x384x384xf32, #tpu.memory_space<vmem>>, vector<3x4x384x384xf32>,
    return
  }
  func.func @transform_0(%arg0: i32) -> (i32, i32, i32, i32) {
    %c0_i32 = arith.constant 0 : i32
    %c0_i32_0 = arith.constant 0 : i32
    %c0_i32_1 = arith.constant 0 : i32
    %c0_i32_2 = arith.constant 0 : i32
    return %c0_i32, %arg0, %c0_i32_0, %c0_i32_1 : i32, i32, i32, i32
  }
  func.func @transform_1(%arg0: i32) -> (i32, i32, i32, i32) {
    %c0_i32 = arith.constant 0 : i32
    %c0_i32_0 = arith.constant 0 : i32
    %c0_i32_1 = arith.constant 0 : i32
    %c0_i32_2 = arith.constant 0 : i32
    return %c0_i32, %arg0, %c0_i32_0, %c0_i32_1 : i32, i32, i32, i32
  }
}

</mosaic_0001>

<sc_bundles>
// kernel: kernel.4.cloned.1.call-start
scs
__scs_entry_jumppad:
0x0: {  	(pc) =	sbr.rel $0x88, $3  }
0x1: {  	(tag) =	ssettag $0x0;
	lr =	simm.s32 $0x1  }
0x2: {  	[smem:$0x3FA0] =	sst lr;
	_ =	strace $0xD0000000  }
0x3: {  	_ = 	snop  }
0x4: {  	_ = 	snop  }
0x5: {  	_ = 	snop  }
0x6: {  	_ = 	snop  }
0x7: {  	_ = 	snop  }
__scs_overlays_trampoline_lowered:
0x8: {  	[smem:$0x3FAF] =	sst s0  }
0x9: {  	[smem:$0x3FB0] =	sst s1  }
0xa: {  	[smem:$0x3FB1] =	sst s2  }
0xb: {  	[smem:$0x3FB2] =	sst s3  }
0xc: {  	[smem:$0x3FB3] =	sst s4  }
0xd: {  	[smem:$0x3FB4] =	sst s5  }
0xe: {  	[smem:$0x3FB5] =	sst s6  }
0xf: {  	[smem:$0x3FB6] =	sst s7  }
0x10: {  	[smem:$0x3FB7] =	sst s8  }
0x11: {  	[smem:$0x3FB8] =	sst s9;
	s0 =	simm.s32 @!p0 $0x0  }
0x12: {  	s1 =	sld [smem:$0x3F9E];
	s0 =	simm.s32 @p0 $0x1  }
0x13: {  	[smem:$0x3FB9] =	sst s0;
	s0 =	simm.s32 @!p1 $0x0  }
0x14: {  	s2 =	sld [smem:$0x3F9D];
	s0 =	simm.s32 @p1 $0x1  }
0x15: {  	[smem:$0x3FBA] =	sst s0;
	s0 =	simm.s32 @!p2 $0x0  }
0x16: {  	s3 =	sld [smem:$0x3FDB];
	s0 =	simm.s32 @p2 $0x1  }
0x17: {  	s4 =	simm.s32 $0x1BF5;
	[smem:$0x3FBC] =	sst s0  }
0x18: {  	s0 =	sld [smem:$0x3F9F];
	_ =	swait.ge [sflag:s4], $0x0  }
0x19: {  	s7 =	sld [smem:$0x3FA0]  }
0x1a: {  	s8 =	sadd.s32 $0xFFFFE003, lr  }
0x1b: {  	s9 =	sadd.s32 $0xFFFFFEF7, lr;
	s5 =	simm.s32 $0xFFFFFFFF;
	p2 =	slt.u32 s8, $0xFFFFF086  }
0x1c: {  	p1 =	slt.u32 s9, $0xF7A;
	s5 =	simm.s32 @!p2 $0x0  }
0x1d: {  	s5 =	simm.s32 @p1 $0x1;
	p0 =	seq.s32 s7, s2  }
0x1e: {  	s7 =	smul.u32 @!p0 $0xF7A, s2;
	p2 =	seq.s32 @!p0 s5, $0x0  }
0x1f: {  	s9 =	smul.u32 $0xF7A, s1;
	s8 =	simm.s32 @!p0 $0x1BF5;
	p2 =	por !p2, p0  }
0x20: {  	[sflag:s8] =	ssyncset.s32 @!p0 $0xFFFFF086;
	s6 =	sadd.s32 @!p0 s3, s7;
	s7 =	simm.s32 @!p0 $0x108  }
0x21: {  	s3 =	sadd.s32 s3, s9;
	s6 =	sadd.s32 @!p0 $0x88, s6;
	s7 =	simm.s32 @p2 $0x1082  }
0x22: {  	[simem:s7], [sflag:s8] =	dma.local @!p0 [hbm:s6], $0xF7A  }
0x23: {  	s9 =	sor.u32 $0xD0000000, s2;
	s6 =	simm.s32 $0x108;
	_ =	swait.ge @!p0 [sflag:s8], $0x0  }
0x24: {  	s3 =	sadd.s32 $0x88, s3;
	s6 =	simm.s32 @!p1 $0x1082;
	[sflag:s4] =	ssyncset.s32 $0xFFFFF086  }
0x25: {  	[simem:s6], [sflag:s4] =	dma.local [hbm:s3], $0xF7A  }
0x26: {  	[smem:$0x3FA0] =	sst s1;
	(tag) =	ssettag s2;
	_ =	strace s9  }
0x27: {  	s1 =	sld [smem:$0x3FB0]  }
0x28: {  	s2 =	sld [smem:$0x3FB1]  }
0x29: {  	s4 =	sld [smem:$0x3FB3]  }
0x2a: {  	p0 =	seq.s32 s5, $0x0;
	s5 =	sld [smem:$0x3FB4]  }
0x2b: {  	s6 =	sld [smem:$0x3FB5]  }
0x2c: {  	s7 =	sld [smem:$0x3FB6]  }
0x2d: {  	s3 =	simm.s32 $0x108;
	s8 =	sld [smem:$0x3FB7]  }
0x2e: {  	s3 =	simm.s32 @!p0 $0x1082;
	s9 =	sld [smem:$0x3FB8]  }
0x2f: {  	lr =	sadd.s32 s0, s3;
	s0 =	sld [smem:$0x3FAF]  }
0x30: {  	s3 =	sld [smem:$0x3FB2]  }
0x31: {  	[smem:$0x3FBB] =	sst s10  }
0x32: {  	s10 =	sld [smem:$0x3FB9];
	_ =	sdelay $0x3  }
0x33: {  	p0 =	seq.s32 s10, $0x1;
	s10 =	sld [smem:$0x3FBB];
	_ =	sdelay $0x3  }
0x34: {  	[smem:$0x3FBB] =	sst s10  }
0x35: {  	s10 =	sld [smem:$0x3FBA];
	_ =	sdelay $0x3  }
0x36: {  	p1 =	seq.s32 s10, $0x1;
	s10 =	sld [smem:$0x3FBB];
	_ =	sdelay $0x3  }
0x37: {  	[smem:$0x3FBB] =	sst s10  }
0x38: {  	s10 =	sld [smem:$0x3FBC]  }
0x39: {  	_ = 	snop;
	(pc) =	sbr.ind lr, $3  }
0x3a: {  	_ = 	snop  }
0x3b: {  	_ = 	snop  }
0x3c: {  	p2 =	seq.s32 s10, $0x1;
	s10 =	sld [smem:$0x3FBB]  }
0x3d: {  	_ =	shalt  }
0x3e: {  	_ =	shalt  }
0x3f: {  	_ =	shalt  }
0x40: {  	_ =	shalt  }
0x41: {  	_ =	shalt  }
0x42: {  	_ =	shalt  }
0x43: {  	_ =	shalt  }
0x44: {  	_ =	shalt  }
0x45: {  	_ =	shalt  }
0x46: {  	_ =	shalt  }
0x47: {  	_ =	shalt  }
0x48: {  	_ =	shalt  }
0x49: {  	_ =	shalt  }
0x4a: {  	_ =	shalt  }
0x4b: {  	_ =	shalt  }
0x4c: {  	_ =	shalt  }
0x4d: {  	_ =	shalt  }
0x4e: {  	_ =	shalt  }
0x4f: {  	_ =	shalt  }
0x50: {  	_ =	shalt  }
0x51: {  	_ =	shalt  }
0x52: {  	_ =	shalt  }
0x53: {  	_ =	shalt  }
0x54: {  	_ =	shalt  }
0x55: {  	_ =	shalt  }
0x56: {  	_ =	shalt  }
0x57: {  	_ =	shalt  }
0x58: {  	_ =	shalt  }
0x59: {  	_ =	shalt  }
0x5a: {  	_ =	shalt  }
0x5b: {  	_ =	shalt  }
0x5c: {  	_ =	shalt  }
0x5d: {  	_ =	shalt  }
0x5e: {  	_ =	shalt  }
0x5f: {  	_ =	shalt  }
0x60: {  	_ =	shalt  }
0x61: {  	_ =	shalt  }
0x62: {  	_ =	shalt  }
0x63: {  	_ =	shalt  }
0x64: {  	_ =	shalt  }
0x65: {  	_ =	shalt  }
0x66: {  	_ =	shalt  }
0x67: {  	_ =	shalt  }
0x68: {  	_ =	shalt  }
0x69: {  	_ =	shalt  }
0x6a: {  	_ =	shalt  }
0x6b: {  	_ =	shalt  }
0x6c: {  	_ =	shalt  }
0x6d: {  	_ =	shalt  }
0x6e: {  	_ =	shalt  }
0x6f: {  	_ =	shalt  }
0x70: {  	_ =	shalt  }
0x71: {  	_ =	shalt  }
0x72: {  	_ =	shalt  }
0x73: {  	_ =	shalt  }
0x74: {  	_ =	shalt  }
0x75: {  	_ =	shalt  }
0x76: {  	_ =	shalt  }
0x77: {  	_ =	shalt  }
0x78: {  	_ =	shalt  }
0x79: {  	_ =	shalt  }
0x7a: {  	_ =	shalt  }
0x7b: {  	_ =	shalt  }
0x7c: {  	_ =	shalt  }
0x7d: {  	_ =	shalt  }
0x7e: {  	_ =	shalt  }
0x7f: {  	_ =	shalt  }
0x80: {  	_ =	shalt  }
0x81: {  	_ =	shalt  }
0x82: {  	_ =	shalt  }
0x83: {  	_ =	shalt  }
0x84: {  	_ =	shalt  }
0x85: {  	_ =	shalt  }
0x86: {  	_ =	shalt  }
0x87: {  	_ =	shalt  }
.Lfunc_end0:
.L_simem_size_0:
called_computation_lowered:
.L_overlay_start_0:
0x88: {  	s2 =	sld [smem:$0x3FD9]  }
0x89: {  	s3 =	sld [smem:$0x3FFE];
	_ =	sdelay $0x1  }
0x8a: {  	s1 =	srdreg.scid  }
0x8b: {  	s0 =	sand.u32 $0x1, s1  }
0x8c: {  	s15 =	sshll.u32 s0, $0xA;
	s2 =	sadd.s32 s3, s2  }
0x8d: {  	s2 =	sadd.s32 s2, s15  }
0x8e: {  	[smem:$0x3FC7] =	sst s2  }
0x8f: {  	_ = 	snop  }
0x90: {  	s2 =	sld [smem:$0x3FD0];
	_ =	sdelay $0x2  }
0x91: {  	s4 =	simm.s32 $0xA;
	s5 =	simm.s32 $0x10;
	s16 =	sld [smem:$0x3FC9]  }
0x92: {  	[smem:s5], [sflag:s4] =	dma.local [hbm:s2], $0x1  }
0x93: {  	_ =	swait.eq [sflag:s4], $0x1  }
0x94: {  	[sflag:s4] =	ssyncset.done $0x0  }
0x95: {  	[sflag:s4] =	ssyncadd.s32 $0xFFFFFFFF  }
0x96: {  	s17 =	sld [smem:$0x10];
	(tm) =	ssettm $0x1  }
0x97: {  	s18 =	sld [smem:$0x3FFB];
	_ =	sdelay $0x3  }
0x98: {  	_ =	strace s18  }
0x99: {  	s4 =	sld [smem:$0x3FFC];
	_ =	sdelay $0x3  }
0x9a: {  	_ =	strace s4  }
0x9b: {  	s4 =	sld [smem:$0x3FFD];
	_ =	sdelay $0x3  }
0x9c: {  	_ =	strace s4  }
0x9d: {  	_ =	strace $0x8FFFFFFF  }
0x9e: {  	s19 =	sld [smem:$0x3FDB];
	_ =	sdelay $0x1  }
0x9f: {  	s20 =	simm.s32 $_scs_section_size  }
0xa0: {  	s6 =	simm.s32 $_size__tile_overlayer_lowered;
	s7 =	simm.s32 $_tile_overlayer_lowered  }
0xa1: {  	s23 =	simm.s32 $0x1BFF;
	s22 =	sshll.u32 s7, $0x1;
	s4 =	sadd.s32 s20, s19  }
0xa2: {  	s8 =	simm.s32 $0x0;
	s21 =	sshll.u32 s6, $0x1;
	s6 =	sadd.s32 s22, s4  }
0xa3: {  	[timem:s8], [sflag:s23] =	dma.local [hbm:s6], s21  }
0xa4: {  	_ =	swait.ge [sflag:s23], s21  }
0xa5: {  	s5 =	ssub.s32 $0x0, s21;
	[sflag:s23] =	ssyncset.done $0x0  }
0xa6: {  	[sflag:s23] =	ssyncadd.s32 s5;
	_ =	sdelay $0x1  }
0xa7: {  	s24 =	simm.s32 $0x1B8B  }
0xa8: {  	_ =	swait.ge [sflag:s24], $0x1  }
0xa9: {  	[sflag:s24] =	ssyncset.done $0x0  }
0xaa: {  	s25 =	simm.s32 $0x1B8E;
	[sflag:s24] =	ssyncadd.s32 $0xFFFFFFFF  }
0xab: {  	s26 =	simm.s32 $execute0_lowered;
	[smem:$0x3FD2] =	sst s25  }
0xac: {  	s5 =	sshll.u32 s26, $0x1;
	_ =	strace $0x80000046;
	[dreg:$0x1] =	wrdreg $0xFFFFFFFF  }
0xad: {  	s28 =	simm.s32 $_size_execute0_lowered;
	s4 =	sadd.s32 s4, s5;
	[dreg:$0x0] =	wrdreg $0x0  }
0xae: {  	s5 =	sshll.u32 s28, $0x1;
	[dreg:$0x2] =	wrdreg s4  }
0xaf: {  	[dreg:$0x3] =	wrdreg s5  }
0xb0: {  	[dreg:$0x4] =	wrdreg $0xC0  }
0xb1: {  	_ =	task [dreg:s8], $0x5FFFF  }
0xb2: {  	[dreg:$0x1] =	wrdreg $0xFFFFFFFF  }
0xb3: {  	[dreg:$0x0] =	wrdreg $0x60  }
0xb4: {  	[dreg:$0x2] =	wrdreg s16  }
0xb5: {  	[dreg:$0x3] =	wrdreg s17  }
0xb6: {  	[dreg:$0x4] =	wrdreg $0x9  }
0xb7: {  	_ =	task.clear_ibuf [dreg:s8], $0x5FFFF;
	_ =	strace $0x90000046  }
0xb8: {  	s29 =	simm.s32 $0x9;
	_ =	strace $0x80000048  }
0xb9: {  	_ =	swait.ge [sflag:s29], $0x1  }
0xba: {  	[sflag:s29] =	ssyncadd.s32 $0xFFFFFFFF  }
0xbb: {  	_ =	strace $0x90000048  }
0xbc: {  	_ =	sfence  }
0xbd: {  	s30 =	sld [smem:$0x0];
	_ =	sdelay $0x2  }
0xbe: {  	s31 =	sshll.u32 s1, $0xD;
	s1 =	sshrl.u32 s1, $0x2  }
0xbf: {  	s3 =	sand.u32 $0x4000, s31;
	s1 =	sadd.s32 s1, s30  }
0xc0: {  	s0 =	sor.u32 s3, s0;
	s1 =	sshll.u32 s1, $0x11  }
0xc1: {  	s0 =	sor.u32 s1, s0  }
0xc2: {  	s0 =	sadd.s32 $0x8F2B, s0  }
0xc3: {  	[sflag:s0] =	ssyncadd.remote.s32 $0x1  }
0xc4: {  	_ =	sfence.sel $0xFFFF  }
0xc5: {  	[dreg:$0x0] =	wrdreg $0xFFFFFFFF;
	(pc) =	sbr.abs _section_cstart, $3  }
0xc6: {  	[dreg:$0x1] =	wrdreg $0xFFFFFFFF  }
0xc7: {  	_ =	task.clear_ibuf [dreg:s8], $0x2FFFF;
	_ =	strace $0x9FFFFFFF  }
0xc8: {  	(tm) =	ssettm $0x7FFFFFFF  }
0xc9: {  	_ =	shalt  }
tec
execute0_lowered:
.L_overlay_start_1:
0x0: {  	(tag) =	ssettag $0x1  }
0x1: {  	s0 =	stileid.u32  }
0x2: {  	s5 =	sshrl.u32 s0, $0x1  }
0x3: {  	s3 =	srdreg.scid;
	s1 =	smul.u32 $0x47B, s5  }
0x4: {  	s12 =	sand.u32 $0x1, s3;
	s25 =	sshll.u32 s0, $0x1;
	s2 =	smul.u32 $0x1F, s5  }
0x5: {  	s3 =	sor.u32 s12, s25;
	s4 =	sshll.u32 s5, $0x2;
	s1 =	sshrl.u32 s1, $0x8  }
0x6: {  	s4 =	ssub.s32 s3, s4;
	s2 =	ssub.s32 s2, s1  }
0x7: {  	s26 =	smul.u32 $0x60, s4;
	s2 =	sand.u32 $0xFE, s2  }
0x8: {  	s29 =	sand.u32 $0x3, s3;
	s2 =	sshrl.u32 s2, $0x1  }
0x9: {  	s10 =	smul.u32 $0x9000, s29;
	s1 =	sadd.s32 s1, s2;
	s2 =	sshrl.u32 s26, $0x3  }
0xa: {  	s1 =	sshrl.u32 s1, $0x2;
	s7 =	smul.u32 $0xC00, s2  }
0xb: {  	s30 =	rddreg [dreg:$0x0];
	s28 =	smul.u32 $0x24000, s1  }
0xc: {  	s11 =	rddreg [dreg:$0x1];
	s13 =	smul.u32 $0x24000, s5;
	s2 =	simm.s32 $0x0  }
0xd: {  	s1 =	rddreg [dreg:$0x2];
	s6 =	sadd.s32 s28, s10;
	s4 =	sadd.s32 s28, s7  }
0xe: {  	[smem:$0x7FF] =	sst s2;
	s6 =	sshrl.u32 s6, $0x3;
	s4 =	sshrl.u32 s4, $0x3  }
0xf: {  	_ =	strace $0x80000047;
	s9 =	sadd.s32 s30, s6;
	s3 =	sadd.s32 s30, s4  }
0x10: {  	[tilespmem:s2], [sflag:$0x1] =	stream.linear.gather [hbm4b:s3+s2], $0x9000, $0x38;
	[tilespmem:$0x12000] =	vst v63  }
0x11: {  	s5 =	simm.s32 $0x9000;
	s6 =	simm.s32 $0x1;
	s4 =	sadd.s32 $0x90000, s9  }
0x12: {  	[tilespmem:s5], [sflag:$0x2] =	stream.linear.gather [hbm4b:s4+s2], $0x9000, $0x38;
	[tilespmem:$0x12000] =	vst v63  }
0x13: {  	s7 =	sadd.s32 s13, s7;
	_ =	swait.ge [sflag:s6], $0x9000  }
0x14: {  	s7 =	sshrl.u32 s7, $0x3;
	[sflag:s6] =	ssyncset.done $0x0  }
0x15: {  	s8 =	simm.s32 $0x3;
	s7 =	sadd.s32 s11, s7;
	[sflag:s6] =	ssyncadd.s32 $0xFFFF7000  }
0x16: {  	[hbm4b:s7+s2] =	stream.linear.scatter [tilespmem:s2], [sflag:$0x3], $0x9000, $0x38;
	[tilespmem:$0x12000] =	vst v63  }
0x17: {  	_ =	swait.ge [sflag:s8], $0x9000  }
0x18: {  	s13 =	sadd.s32 s13, s10;
	[sflag:s8] =	ssyncset.done $0x0  }
0x19: {  	s10 =	simm.s32 $0x2;
	s9 =	sadd.s32 $0x120000, s9;
	[sflag:s8] =	ssyncadd.s32 $0xFFFF7000  }
0x1a: {  	[tilespmem:s2], [sflag:$0x1] =	stream.linear.gather [hbm4b:s9+s2], $0x9000, $0x38;
	[tilespmem:$0x12000] =	vst v63  }
0x1b: {  	s13 =	sshrl.u32 s13, $0x3;
	_ =	swait.ge [sflag:s10], $0x9000  }
0x1c: {  	s14 =	ssub.s32 $0x2, s12;
	s13 =	sadd.s32 s11, s13;
	[sflag:s10] =	ssyncset.done $0x0  }
0x1d: {  	s31 =	sshrl.u32 s14, $0x1;
	s11 =	sadd.s32 $0x24000, s13;
	[sflag:s10] =	ssyncadd.s32 $0xFFFF7000  }
0x1e: {  	[hbm4b:s11+s2] =	stream.linear.scatter [tilespmem:s5], [sflag:$0x4], $0x9000, $0x38;
	[tilespmem:$0x12000] =	vst v63  }
0x1f: {  	s12 =	sadd.s32 $0x48000, s13;
	s13 =	ssub.s32 s14, s31;
	_ =	swait.ge [sflag:s6], $0x9000  }
0x20: {  	s14 =	smax.u32 s13, $0x1;
	[sflag:s6] =	ssyncset.done $0x0  }
0x21: {  	p0 =	sne.s32 s14, $0x1;
	[sflag:s6] =	ssyncadd.s32 $0xFFFF7000  }
0x22: {  	[hbm4b:s12+s2] =	stream.linear.scatter [tilespmem:s2], [sflag:$0x3], $0x9000, $0x38;
	[tilespmem:$0x12000] =	vst v63  }
.Ltmp0:
0x23: {  	_ =	swait.ge [sflag:s8], $0x9000;
	(pc) =	sbr.rel @!p0 .LBB2_2-.Ltmp0, $4  }
0x24: {  	[sflag:s8] =	ssyncset.done $0x0  }
0x25: {  	s13 =	simm.s32 $0x4;
	[sflag:s8] =	ssyncadd.s32 $0xFFFF7000  }
0x26: {  	_ =	swait.ge [sflag:s13], $0x9000  }
0x27: {  	s14 =	sadd.s32 $0xFFFFFFFF, s14;
	[sflag:s13] =	ssyncset.done $0x0  }
.LBB2_1:
0x28: {  	p0 =	sne.s32 s14, $0x1;
	s14 =	sadd.s32 $0xFFFFFFFF, s14;
	[sflag:s13] =	ssyncadd.s32 $0xFFFF7000  }
0x29: {  	[tilespmem:s2], [sflag:$0x1] =	stream.linear.gather [hbm4b:s3+s2], $0x9000, $0x38;
	[tilespmem:$0x12000] =	vst v63  }
0x2a: {  	_ = 	snop  }
0x2b: {  	[tilespmem:s5], [sflag:$0x2] =	stream.linear.gather [hbm4b:s4+s2], $0x9000, $0x38;
	[tilespmem:$0x12000] =	vst v63  }
0x2c: {  	_ =	swait.ge [sflag:s6], $0x9000  }
0x2d: {  	[sflag:s6] =	ssyncset.done $0x0  }
0x2e: {  	[sflag:s6] =	ssyncadd.s32 $0xFFFF7000  }
0x2f: {  	[hbm4b:s7+s2] =	stream.linear.scatter [tilespmem:s2], [sflag:$0x3], $0x9000, $0x38;
	[tilespmem:$0x12000] =	vst v63  }
0x30: {  	_ =	swait.ge [sflag:s8], $0x9000  }
0x31: {  	[sflag:s8] =	ssyncset.done $0x0  }
0x32: {  	[sflag:s8] =	ssyncadd.s32 $0xFFFF7000  }
0x33: {  	[tilespmem:s2], [sflag:$0x1] =	stream.linear.gather [hbm4b:s9+s2], $0x9000, $0x38;
	[tilespmem:$0x12000] =	vst v63  }
0x34: {  	_ =	swait.ge [sflag:s10], $0x9000  }
0x35: {  	[sflag:s10] =	ssyncset.done $0x0  }
0x36: {  	[sflag:s10] =	ssyncadd.s32 $0xFFFF7000  }
0x37: {  	[hbm4b:s11+s2] =	stream.linear.scatter [tilespmem:s5], [sflag:$0x4], $0x9000, $0x38;
	[tilespmem:$0x12000] =	vst v63  }
0x38: {  	_ =	swait.ge [sflag:s6], $0x9000  }
0x39: {  	[sflag:s6] =	ssyncset.done $0x0  }
0x3a: {  	[sflag:s6] =	ssyncadd.s32 $0xFFFF7000  }
0x3b: {  	[hbm4b:s12+s2] =	stream.linear.scatter [tilespmem:s2], [sflag:$0x3], $0x9000, $0x38;
	[tilespmem:$0x12000] =	vst v63  }
.Ltmp1:
0x3c: {  	_ =	swait.ge [sflag:s8], $0x9000;
	(pc) =	sbr.rel @p0 .LBB2_1-.Ltmp1, $4  }
0x3d: {  	[sflag:s8] =	ssyncset.done $0x0  }
0x3e: {  	[sflag:s8] =	ssyncadd.s32 $0xFFFF7000  }
0x3f: {  	_ =	swait.ge [sflag:s13], $0x9000  }
0x40: {  	[sflag:s13] =	ssyncset.done $0x0  }
.LBB2_2:
0x41: {  	[sflag:s13] =	ssyncadd.s32 $0xFFFF7000  }
0x42: {  	_ =	sfence.sel $0x180000  }
0x43: {  	[bflag:$0x0] =	sbarrier.arrive $0xFFFF  }
0x44: {  	p0 =	sne.s32 s0, $0x0;
	_ =	strace $0x90000047  }
0x45: {  	s0 =	sadd.s32 @!p0 $0x100000, s1;
	[bflag:$0x2] =	sbarrier.arrive $0xFFFF  }
0x46: {  	[sflag:s0] =	ssyncadd.tile.s32 @!p0 $0x1;
	_ =	shalt  }
.Lfunc_end2:
_tile_overlayer_lowered:
.L_overlay_start_2:
0x47: {  	(tag) =	ssettag $0x2  }
0x48: {  	s0 =	rddreg [dreg:$0x0];
	s2 =	stileid.u32  }
0x49: {  	s1 =	rddreg [dreg:$0x1];
	p0 =	sne.s32 s2, $0x0  }
0x4a: {  	s3 =	rddreg [dreg:$0x2];
	[bflag:$0x3] =	sbarrier.arrive $0xFFFF;
	s2 =	simm.s32 @!p0 $0x1C05  }
0x4b: {  	[timem:s3], [sflag:s2] =	dma.local @!p0 [hbm:s0], s1  }
0x4c: {  	s0 =	simm.s32 @!p0 $0x5  }
0x4d: {  	_ =	swait.ge @!p0 [sflag:s0], s1  }
0x4e: {  	s1 =	ssub.s32 @!p0 $0x0, s1;
	[sflag:s0] =	ssyncset.done @!p0 $0x0  }
0x4f: {  	[sflag:s0] =	ssyncadd.s32 @!p0 s1  }
0x50: {  	[bflag:$0x3] =	sbarrier.arrive $0xFFFF  }
0x51: {  	_ =	shalt  }

</sc_bundles>
